<compile_context>
chip_gen: v7x
topology: tpu7x:2x2x1
jax: 0.10.2.dev20260603
libtpu: 0.0.44.dev20260713+nightly
codegen_flags: <defaults>
</compile_context>

<pallas_src>
import functools

import jax
import jax.numpy as jnp
from jax import lax
from jax.experimental import pallas as pl
from jax.experimental.pallas import tpu as pltpu
from jax.experimental.pallas import tpu_sc as plsc

_N0 = 2500.0
_LANES = 16
_VIEW_LANES = 128


def _preprocess_sc(x2, patt, *, num_cores, num_subcores):
    num_workers = num_cores * num_subcores
    in_rows, lanes = x2.shape
    m = patt.shape[0]
    out_rows = in_rows // 2
    irows_per_w = in_rows // num_workers
    orows_per_w = out_rows // num_workers
    vecs_per_w = orows_per_w * lanes // _LANES
    vecs_per_mrow = m // _LANES
    assert m & (m - 1) == 0 and lanes == _VIEW_LANES

    mesh = plsc.VectorSubcoreMesh(
        core_axis_name="c", subcore_axis_name="s",
        num_cores=num_cores, num_subcores=num_subcores,
    )

    @functools.partial(
        pl.kernel,
        out_type=jax.ShapeDtypeStruct((out_rows, lanes), jnp.float32),
        mesh=mesh,
        scratch_types=[
            pltpu.VMEM((irows_per_w, lanes), jnp.float32),
            pltpu.VMEM((m,), jnp.float32),
            pltpu.VMEM((orows_per_w, lanes), jnp.float32),
        ],
        compiler_params=pltpu.CompilerParams(needs_layout_passes=False),
    )
    def run(x_hbm, patt_hbm, out_hbm, x_v, patt_v, out_v):
        wid = lax.axis_index("s") * num_cores + lax.axis_index("c")
        pltpu.sync_copy(x_hbm.at[pl.ds(wid * irows_per_w, irows_per_w)], x_v)
        pltpu.sync_copy(patt_hbm, patt_v)

        even_iota = 2 * lax.iota(jnp.int32, _LANES)
        odd_iota = even_iota + 1
        zero = jnp.zeros((_LANES,), jnp.int32)
        scale = jnp.float32(2.0 / _N0)

        @plsc.parallel_loop(0, vecs_per_w, 1, unroll=8)
        def body(v):
            irow = zero + lax.shift_right_logical(v, 2)
            cbase = lax.shift_left(lax.bitwise_and(v, 3), 5)
            even = plsc.load_gather(x_v, [irow, cbase + even_iota])
            odd = plsc.load_gather(x_v, [irow, cbase + odd_iota])
            pm = lax.bitwise_and(v, vecs_per_mrow - 1) * _LANES
            p = patt_v[pl.ds(pm, _LANES)]
            orow = lax.shift_right_logical(v, 3)
            ocol = lax.shift_left(lax.bitwise_and(v, 7), 4)
            out_v[orow, pl.ds(ocol, _LANES)] = (even - odd) * scale - p

        pltpu.sync_copy(out_v, out_hbm.at[pl.ds(wid * orows_per_w, orows_per_w)])

    return run(x2, patt)


def kernel(x, Patt, b, c, h, w):
    bs, cs, two_m = x.shape
    m = Patt.shape[0]
    x2 = jnp.reshape(x, (bs * cs * two_m // _VIEW_LANES, _VIEW_LANES))
    info = plsc.get_sparse_core_info()
    out = _preprocess_sc(x2, Patt.astype(jnp.float32),
                         num_cores=info.num_cores,
                         num_subcores=info.num_subcores)
    return jnp.reshape(out, (bs, cs, m))

# --- scband reference (transcript-rebuilt; emitter-appended) ---
"""Pipeline reference for scband-preprocess-79293686218886 (READ-ONLY COPY).

The authoritative reference and input builder live on the scoring server;
editing this copy changes nothing except your own understanding.
"""

import jax, jax.numpy as jnp
import numpy as np

N0 = 2500.0
M = 4096
N_SIDE = 64


def setup_inputs(seed: int = 0) -> dict:
    key = jax.random.key(seed)
    k1 = jax.random.fold_in(key, 1)
    # raw split-measurement counts, nonnegative, scaled by photon count
    x = jax.random.uniform(k1, (128, 1, 2 * M), dtype=jnp.float32) * N0
    # Patt buffer: zeros of length M with first entry n**2 (DC Hadamard pattern sum)
    patt = np.zeros(M, dtype=np.float32)
    patt[0] = N_SIDE ** 2
    return {"x": x, "Patt": jnp.asarray(patt), "b": 128, "c": 1, "h": 64, "w": 64}


def reference(x, Patt, b, c, h, w):
    # even/uneven index split of interleaved positive/negative measurements
    even = x[:, :, 0::2]   # x[:, :, even_index]
    odd = x[:, :, 1::2]    # x[:, :, uneven_index]
    y = (even - odd) / N0
    # Patt applied to ones(b*c,1,h,w) yields the constant pattern vector per sample,
    # reshaped to (b, c, M)
    bs = x.shape[0]
    cs = x.shape[1]
    m = Patt.shape[0]
    patt_term = jnp.reshape(jnp.broadcast_to(Patt, (bs * cs, m)), (bs, cs, m))
    out = 2.0 * y - patt_term
    out = out + jnp.asarray(b + c + h + w, out.dtype) * 0.0
    return out

if __name__ == "__main__":
    import jax
    _d = setup_inputs()
    print(jax.jit(kernel)(*tuple(_d.values())))

</pallas_src>

<mosaic_0001>
#map = affine_map<(d0, d1) -> (0, 0)>
#map1 = affine_map<(d0, d1) -> (0)>
module attributes {stable_mosaic.version = 14 : i64} {
  func.func @run(%arg0: i32, %arg1: i32, %arg2: memref<8192x128xf32, #tpu.memory_space<hbm>>, %arg3: memref<4096xf32, #tpu.memory_space<hbm>>, %arg4: memref<4096x128xf32, #tpu.memory_space<hbm>>, %arg5: memref<256x128xf32, #tpu.memory_space<vmem>>, %arg6: memref<4096xf32, #tpu.memory_space<vmem>>, %arg7: memref<128x128xf32, #tpu.memory_space<vmem>>) attributes {dimension_semantics = [#tpu.dimension_semantics<core_parallel>, #tpu.dimension_semantics<subcore_parallel>], iteration_bounds = array<i64: 2, 16>, scalar_prefetch = 0 : i64, scratch_operands = 3 : i64, tpu.core_type = #tpu.core_type<sc_vector_subcore>, window_params = [{transform_indices = #map}, {transform_indices = #map1}, {transform_indices = #map}]} {
    %mul3A = arith.constant 2 : i32
    %mul3A_0 = arith.muli %arg1, %mul3A : i32
    %add3A = arith.addi %mul3A_0, %arg0 : i32
    %mul3A_1 = arith.constant 256 : i32
    %mul3A_2 = arith.muli %add3A, %mul3A_1 : i32
    "tpu.region"() ({
      %run_scoped3A = tpu.sem_alloc : memref<!tpu.dma_semaphore, #tpu.memory_space<semaphore_mem>>
      %dma_start3A = arith.constant 0 : i32
      %dma_start3A_15 = tpu.memref_slice %arg2[%mul3A_2, %dma_start3A] : memref<8192x128xf32, #tpu.memory_space<hbm>> -> memref<256x128xf32, #tpu.memory_space<hbm>>
      %dma_start3A_16 = arith.constant 0 : i32
      %dma_start3A_17 = tpu.memref_slice %arg2[%mul3A_2, %dma_start3A_16] : memref<8192x128xf32, #tpu.memory_space<hbm>> -> memref<256x128xf32, #tpu.memory_space<hbm>>
      tpu.enqueue_dma source(%dma_start3A_17 : memref<256x128xf32, #tpu.memory_space<hbm>>) target(%arg5 : memref<256x128xf32, #tpu.memory_space<vmem>>) target_semaphore(%run_scoped3A : memref<!tpu.dma_semaphore, #tpu.memory_space<semaphore_mem>>)
      %dma_wait3A = arith.constant 0 : i32
      %dma_wait3A_18 = tpu.memref_slice %arg2[%mul3A_2, %dma_wait3A] : memref<8192x128xf32, #tpu.memory_space<hbm>> -> memref<256x128xf32, #tpu.memory_space<hbm>>
      %dma_wait3A_19 = arith.constant 0 : i32
      %dma_wait3A_20 = tpu.memref_slice %arg2[%mul3A_2, %dma_wait3A_19] : memref<8192x128xf32, #tpu.memory_space<hbm>> -> memref<256x128xf32, #tpu.memory_space<hbm>>
      tpu.wait_dma2 semaphore(%run_scoped3A : memref<!tpu.dma_semaphore, #tpu.memory_space<semaphore_mem>>) src(%dma_wait3A_20 : memref<256x128xf32, #tpu.memory_space<hbm>>) dst(%arg5 : memref<256x128xf32, #tpu.memory_space<vmem>>)
      tpu.yield
    }) : () -> ()
    "tpu.region"() ({
      %run_scoped3A = tpu.sem_alloc : memref<!tpu.dma_semaphore, #tpu.memory_space<semaphore_mem>>
      tpu.enqueue_dma source(%arg3 : memref<4096xf32, #tpu.memory_space<hbm>>) target(%arg6 : memref<4096xf32, #tpu.memory_space<vmem>>) target_semaphore(%run_scoped3A : memref<!tpu.dma_semaphore, #tpu.memory_space<semaphore_mem>>)
      tpu.wait_dma2 semaphore(%run_scoped3A : memref<!tpu.dma_semaphore, #tpu.memory_space<semaphore_mem>>) src(%arg3 : memref<4096xf32, #tpu.memory_space<hbm>>) dst(%arg6 : memref<4096xf32, #tpu.memory_space<vmem>>)
      tpu.yield
    }) : () -> ()
    %iota3A = tpu.iota {dimensions = array<i32: 0>} : vector<16xi32>
    %mul3A_3 = arith.constant 2 : i32
    %mul3A_4 = vector.broadcast %mul3A_3 : i32 to vector<16xi32>
    %mul3A_5 = arith.muli %mul3A_4, %iota3A : vector<16xi32>
    %add3A_6 = arith.constant 1 : i32
    %add3A_7 = vector.broadcast %add3A_6 : i32 to vector<16xi32>
    %add3A_8 = arith.addi %mul3A_5, %add3A_7 : vector<16xi32>
    %broadcast_in_dim3A = arith.constant 0 : i32
    %broadcast_in_dim3A_9 = vector.broadcast %broadcast_in_dim3A : i32 to vector<16xi32>
    %parallel_loop3A = arith.constant 0 : i32
    %parallel_loop3A_10 = arith.constant 1024 : i32
    %parallel_loop3A_11 = arith.constant 1 : i32
    %parallel_loop3A_12 = arith.constant 8.000000e-04 : f32
    scf.for %parallel_loop3A_15 = %parallel_loop3A to %parallel_loop3A_10 step %parallel_loop3A_11  : i32 {
      %parallel_loop3A_16 = arith.constant 2 : i32
      %parallel_loop3A_17 = arith.shrui %parallel_loop3A_15, %parallel_loop3A_16 : i32
      %parallel_loop3A_18 = vector.broadcast %parallel_loop3A_17 : i32 to vector<16xi32>
      %parallel_loop3A_19 = arith.addi %broadcast_in_dim3A_9, %parallel_loop3A_18 : vector<16xi32>
      %parallel_loop3A_20 = arith.constant 3 : i32
      %parallel_loop3A_21 = arith.andi %parallel_loop3A_15, %parallel_loop3A_20 : i32
      %parallel_loop3A_22 = arith.constant 5 : i32
      %parallel_loop3A_23 = arith.shli %parallel_loop3A_21, %parallel_loop3A_22 : i32
      %parallel_loop3A_24 = vector.broadcast %parallel_loop3A_23 : i32 to vector<16xi32>
      %parallel_loop3A_25 = arith.addi %parallel_loop3A_24, %mul3A_5 : vector<16xi32>
      %parallel_loop3A_26 = tpu.vector_load_idx %arg5[%parallel_loop3A_19, %parallel_loop3A_25] : memref<256x128xf32, #tpu.memory_space<vmem>>[vector<16xi32>, vector<16xi32>], vector<16xf32>,
      %parallel_loop3A_27 = vector.broadcast %parallel_loop3A_23 : i32 to vector<16xi32>
      %parallel_loop3A_28 = arith.addi %parallel_loop3A_27, %add3A_8 : vector<16xi32>
      %parallel_loop3A_29 = tpu.vector_load_idx %arg5[%parallel_loop3A_19, %parallel_loop3A_28] : memref<256x128xf32, #tpu.memory_space<vmem>>[vector<16xi32>, vector<16xi32>], vector<16xf32>,
      %parallel_loop3A_30 = arith.constant 255 : i32
      %parallel_loop3A_31 = arith.andi %parallel_loop3A_15, %parallel_loop3A_30 : i32
      %parallel_loop3A_32 = arith.constant 16 : i32
      %parallel_loop3A_33 = arith.muli %parallel_loop3A_31, %parallel_loop3A_32 : i32
      %parallel_loop3A_34 = arith.index_cast %parallel_loop3A_33 : i32 to index
      %parallel_loop3A_35 = tpu.vector_load %arg6[%parallel_loop3A_34] {strides = array<i32>} : memref<4096xf32, #tpu.memory_space<vmem>>, vector<16xf32>,
      %parallel_loop3A_36 = arith.constant 3 : i32
      %parallel_loop3A_37 = arith.shrui %parallel_loop3A_15, %parallel_loop3A_36 : i32
      %parallel_loop3A_38 = arith.constant 7 : i32
      %parallel_loop3A_39 = arith.andi %parallel_loop3A_15, %parallel_loop3A_38 : i32
      %parallel_loop3A_40 = arith.constant 4 : i32
      %parallel_loop3A_41 = arith.shli %parallel_loop3A_39, %parallel_loop3A_40 : i32
      %parallel_loop3A_42 = arith.subf %parallel_loop3A_26, %parallel_loop3A_29 : vector<16xf32>
      %parallel_loop3A_43 = vector.broadcast %parallel_loop3A_12 : f32 to vector<16xf32>
      %parallel_loop3A_44 = arith.mulf %parallel_loop3A_42, %parallel_loop3A_43 : vector<16xf32>
      %parallel_loop3A_45 = arith.subf %parallel_loop3A_44, %parallel_loop3A_35 : vector<16xf32>
      %parallel_loop3A_46 = arith.index_cast %parallel_loop3A_37 : i32 to index
      %parallel_loop3A_47 = arith.index_cast %parallel_loop3A_41 : i32 to index
      %parallel_loop3A_48 = tpu.vector_load %arg7[%parallel_loop3A_46, %parallel_loop3A_47] {strides = array<i32>} : memref<128x128xf32, #tpu.memory_space<vmem>>, vector<16xf32>,
      tpu.vector_store %arg7[%parallel_loop3A_46, %parallel_loop3A_47], %parallel_loop3A_45 {strides = array<i32>} : memref<128x128xf32, #tpu.memory_space<vmem>>, vector<16xf32>,
    } {sc.loop_unroll_factor = 8 : i64, sc.parallel_access}
    %mul3A_13 = arith.constant 128 : i32
    %mul3A_14 = arith.muli %add3A, %mul3A_13 : i32
    "tpu.region"() ({
      %run_scoped3A = tpu.sem_alloc : memref<!tpu.dma_semaphore, #tpu.memory_space<semaphore_mem>>
      %dma_start3A = arith.constant 0 : i32
      %dma_start3A_15 = tpu.memref_slice %arg4[%mul3A_14, %dma_start3A] : memref<4096x128xf32, #tpu.memory_space<hbm>> -> memref<128x128xf32, #tpu.memory_space<hbm>>
      %dma_start3A_16 = arith.constant 0 : i32
      %dma_start3A_17 = tpu.memref_slice %arg4[%mul3A_14, %dma_start3A_16] : memref<4096x128xf32, #tpu.memory_space<hbm>> -> memref<128x128xf32, #tpu.memory_space<hbm>>
      tpu.enqueue_dma source(%arg7 : memref<128x128xf32, #tpu.memory_space<vmem>>) target(%dma_start3A_17 : memref<128x128xf32, #tpu.memory_space<hbm>>) target_semaphore(%run_scoped3A : memref<!tpu.dma_semaphore, #tpu.memory_space<semaphore_mem>>)
      %dma_wait3A = arith.constant 0 : i32
      %dma_wait3A_18 = tpu.memref_slice %arg4[%mul3A_14, %dma_wait3A] : memref<4096x128xf32, #tpu.memory_space<hbm>> -> memref<128x128xf32, #tpu.memory_space<hbm>>
      %dma_wait3A_19 = arith.constant 0 : i32
      %dma_wait3A_20 = tpu.memref_slice %arg4[%mul3A_14, %dma_wait3A_19] : memref<4096x128xf32, #tpu.memory_space<hbm>> -> memref<128x128xf32, #tpu.memory_space<hbm>>
      tpu.wait_dma2 semaphore(%run_scoped3A : memref<!tpu.dma_semaphore, #tpu.memory_space<semaphore_mem>>) src(%arg7 : memref<128x128xf32, #tpu.memory_space<vmem>>) dst(%dma_wait3A_20 : memref<128x128xf32, #tpu.memory_space<hbm>>)
      tpu.yield
    }) : () -> ()
    return
  }
}

</mosaic_0001>

<sc_bundles>
// kernel: kernel.3.cloned.1.call-start
scs
__scs_entry_jumppad:
0x0: {  	(pc) =	sbr.rel $0x88, $3  }
0x1: {  	(tag) =	ssettag $0x0;
	lr =	simm.s32 $0x1  }
0x2: {  	[smem:$0x3F9F] =	sst lr;
	_ =	strace $0xD0000000  }
0x3: {  	_ = 	snop  }
0x4: {  	_ = 	snop  }
0x5: {  	_ = 	snop  }
0x6: {  	_ = 	snop  }
0x7: {  	_ = 	snop  }
__scs_overlays_trampoline_lowered:
0x8: {  	[smem:$0x3FAE] =	sst s0  }
0x9: {  	[smem:$0x3FAF] =	sst s1  }
0xa: {  	[smem:$0x3FB0] =	sst s2  }
0xb: {  	[smem:$0x3FB1] =	sst s3  }
0xc: {  	[smem:$0x3FB2] =	sst s4  }
0xd: {  	[smem:$0x3FB3] =	sst s5  }
0xe: {  	[smem:$0x3FB4] =	sst s6  }
0xf: {  	[smem:$0x3FB5] =	sst s7  }
0x10: {  	[smem:$0x3FB6] =	sst s8  }
0x11: {  	[smem:$0x3FB7] =	sst s9;
	s0 =	simm.s32 @!p0 $0x0  }
0x12: {  	s1 =	sld [smem:$0x3F9D];
	s0 =	simm.s32 @p0 $0x1  }
0x13: {  	[smem:$0x3FB8] =	sst s0;
	s0 =	simm.s32 @!p1 $0x0  }
0x14: {  	s2 =	sld [smem:$0x3F9C];
	s0 =	simm.s32 @p1 $0x1  }
0x15: {  	[smem:$0x3FB9] =	sst s0;
	s0 =	simm.s32 @!p2 $0x0  }
0x16: {  	s3 =	sld [smem:$0x3FDB];
	s0 =	simm.s32 @p2 $0x1  }
0x17: {  	s4 =	simm.s32 $0x1BF5;
	[smem:$0x3FBB] =	sst s0  }
0x18: {  	s0 =	sld [smem:$0x3F9E];
	_ =	swait.ge [sflag:s4], $0x0  }
0x19: {  	s7 =	sld [smem:$0x3F9F]  }
0x1a: {  	s8 =	sadd.s32 $0xFFFFE003, lr  }
0x1b: {  	s9 =	sadd.s32 $0xFFFFFEF7, lr;
	s5 =	simm.s32 $0xFFFFFFFF;
	p2 =	slt.u32 s8, $0xFFFFF086  }
0x1c: {  	p1 =	slt.u32 s9, $0xF7A;
	s5 =	simm.s32 @!p2 $0x0  }
0x1d: {  	s5 =	simm.s32 @p1 $0x1;
	p0 =	seq.s32 s7, s2  }
0x1e: {  	s7 =	smul.u32 @!p0 $0xF7A, s2;
	p2 =	seq.s32 @!p0 s5, $0x0  }
0x1f: {  	s9 =	smul.u32 $0xF7A, s1;
	s8 =	simm.s32 @!p0 $0x1BF5;
	p2 =	por !p2, p0  }
0x20: {  	[sflag:s8] =	ssyncset.s32 @!p0 $0xFFFFF086;
	s6 =	sadd.s32 @!p0 s3, s7;
	s7 =	simm.s32 @!p0 $0x108  }
0x21: {  	s3 =	sadd.s32 s3, s9;
	s6 =	sadd.s32 @!p0 $0x88, s6;
	s7 =	simm.s32 @p2 $0x1082  }
0x22: {  	[simem:s7], [sflag:s8] =	dma.local @!p0 [hbm:s6], $0xF7A  }
0x23: {  	s9 =	sor.u32 $0xD0000000, s2;
	s6 =	simm.s32 $0x108;
	_ =	swait.ge @!p0 [sflag:s8], $0x0  }
0x24: {  	s3 =	sadd.s32 $0x88, s3;
	s6 =	simm.s32 @!p1 $0x1082;
	[sflag:s4] =	ssyncset.s32 $0xFFFFF086  }
0x25: {  	[simem:s6], [sflag:s4] =	dma.local [hbm:s3], $0xF7A  }
0x26: {  	[smem:$0x3F9F] =	sst s1;
	(tag) =	ssettag s2;
	_ =	strace s9  }
0x27: {  	s1 =	sld [smem:$0x3FAF]  }
0x28: {  	s2 =	sld [smem:$0x3FB0]  }
0x29: {  	s4 =	sld [smem:$0x3FB2]  }
0x2a: {  	p0 =	seq.s32 s5, $0x0;
	s5 =	sld [smem:$0x3FB3]  }
0x2b: {  	s6 =	sld [smem:$0x3FB4]  }
0x2c: {  	s7 =	sld [smem:$0x3FB5]  }
0x2d: {  	s3 =	simm.s32 $0x108;
	s8 =	sld [smem:$0x3FB6]  }
0x2e: {  	s3 =	simm.s32 @!p0 $0x1082;
	s9 =	sld [smem:$0x3FB7]  }
0x2f: {  	lr =	sadd.s32 s0, s3;
	s0 =	sld [smem:$0x3FAE]  }
0x30: {  	s3 =	sld [smem:$0x3FB1]  }
0x31: {  	[smem:$0x3FBA] =	sst s10  }
0x32: {  	s10 =	sld [smem:$0x3FB8];
	_ =	sdelay $0x3  }
0x33: {  	p0 =	seq.s32 s10, $0x1;
	s10 =	sld [smem:$0x3FBA];
	_ =	sdelay $0x3  }
0x34: {  	[smem:$0x3FBA] =	sst s10  }
0x35: {  	s10 =	sld [smem:$0x3FB9];
	_ =	sdelay $0x3  }
0x36: {  	p1 =	seq.s32 s10, $0x1;
	s10 =	sld [smem:$0x3FBA];
	_ =	sdelay $0x3  }
0x37: {  	[smem:$0x3FBA] =	sst s10  }
0x38: {  	s10 =	sld [smem:$0x3FBB]  }
0x39: {  	_ = 	snop;
	(pc) =	sbr.ind lr, $3  }
0x3a: {  	_ = 	snop  }
0x3b: {  	_ = 	snop  }
0x3c: {  	p2 =	seq.s32 s10, $0x1;
	s10 =	sld [smem:$0x3FBA]  }
0x3d: {  	_ =	shalt  }
0x3e: {  	_ =	shalt  }
0x3f: {  	_ =	shalt  }
0x40: {  	_ =	shalt  }
0x41: {  	_ =	shalt  }
0x42: {  	_ =	shalt  }
0x43: {  	_ =	shalt  }
0x44: {  	_ =	shalt  }
0x45: {  	_ =	shalt  }
0x46: {  	_ =	shalt  }
0x47: {  	_ =	shalt  }
0x48: {  	_ =	shalt  }
0x49: {  	_ =	shalt  }
0x4a: {  	_ =	shalt  }
0x4b: {  	_ =	shalt  }
0x4c: {  	_ =	shalt  }
0x4d: {  	_ =	shalt  }
0x4e: {  	_ =	shalt  }
0x4f: {  	_ =	shalt  }
0x50: {  	_ =	shalt  }
0x51: {  	_ =	shalt  }
0x52: {  	_ =	shalt  }
0x53: {  	_ =	shalt  }
0x54: {  	_ =	shalt  }
0x55: {  	_ =	shalt  }
0x56: {  	_ =	shalt  }
0x57: {  	_ =	shalt  }
0x58: {  	_ =	shalt  }
0x59: {  	_ =	shalt  }
0x5a: {  	_ =	shalt  }
0x5b: {  	_ =	shalt  }
0x5c: {  	_ =	shalt  }
0x5d: {  	_ =	shalt  }
0x5e: {  	_ =	shalt  }
0x5f: {  	_ =	shalt  }
0x60: {  	_ =	shalt  }
0x61: {  	_ =	shalt  }
0x62: {  	_ =	shalt  }
0x63: {  	_ =	shalt  }
0x64: {  	_ =	shalt  }
0x65: {  	_ =	shalt  }
0x66: {  	_ =	shalt  }
0x67: {  	_ =	shalt  }
0x68: {  	_ =	shalt  }
0x69: {  	_ =	shalt  }
0x6a: {  	_ =	shalt  }
0x6b: {  	_ =	shalt  }
0x6c: {  	_ =	shalt  }
0x6d: {  	_ =	shalt  }
0x6e: {  	_ =	shalt  }
0x6f: {  	_ =	shalt  }
0x70: {  	_ =	shalt  }
0x71: {  	_ =	shalt  }
0x72: {  	_ =	shalt  }
0x73: {  	_ =	shalt  }
0x74: {  	_ =	shalt  }
0x75: {  	_ =	shalt  }
0x76: {  	_ =	shalt  }
0x77: {  	_ =	shalt  }
0x78: {  	_ =	shalt  }
0x79: {  	_ =	shalt  }
0x7a: {  	_ =	shalt  }
0x7b: {  	_ =	shalt  }
0x7c: {  	_ =	shalt  }
0x7d: {  	_ =	shalt  }
0x7e: {  	_ =	shalt  }
0x7f: {  	_ =	shalt  }
0x80: {  	_ =	shalt  }
0x81: {  	_ =	shalt  }
0x82: {  	_ =	shalt  }
0x83: {  	_ =	shalt  }
0x84: {  	_ =	shalt  }
0x85: {  	_ =	shalt  }
0x86: {  	_ =	shalt  }
0x87: {  	_ =	shalt  }
.Lfunc_end0:
.L_simem_size_0:
called_computation_lowered:
.L_overlay_start_0:
0x88: {  	s2 =	sld [smem:$0x3FD9]  }
0x89: {  	s3 =	sld [smem:$0x3FFE];
	_ =	sdelay $0x1  }
0x8a: {  	s1 =	srdreg.scid  }
0x8b: {  	s0 =	sand.u32 $0x1, s1  }
0x8c: {  	s18 =	sshll.u32 s0, $0xA;
	s2 =	sadd.s32 s3, s2  }
0x8d: {  	s2 =	sadd.s32 s2, s18  }
0x8e: {  	[smem:$0x3FC6] =	sst s2  }
0x8f: {  	_ = 	snop  }
0x90: {  	s2 =	sld [smem:$0x3FC9]  }
0x91: {  	s19 =	sld [smem:$0x3FC8]  }
0x92: {  	s4 =	sld [smem:$0x3FD0];
	(tm) =	ssettm $0x1  }
0x93: {  	s5 =	sld [smem:$0x3FFB];
	_ =	sdelay $0x3  }
0x94: {  	_ =	strace s5  }
0x95: {  	s5 =	sld [smem:$0x3FFC];
	_ =	sdelay $0x3  }
0x96: {  	_ =	strace s5  }
0x97: {  	s5 =	sld [smem:$0x3FFD];
	_ =	sdelay $0x3  }
0x98: {  	_ =	strace s5  }
0x99: {  	_ =	strace $0x8FFFFFFF  }
0x9a: {  	s20 =	sld [smem:$0x3FDB];
	_ =	sdelay $0x1  }
0x9b: {  	s6 =	simm.s32 $_scs_section_size  }
0x9c: {  	s7 =	simm.s32 $_size__tile_overlayer_lowered;
	s8 =	simm.s32 $_tile_overlayer_lowered  }
0x9d: {  	s23 =	simm.s32 $0x1BFF;
	s22 =	sshll.u32 s8, $0x1;
	s5 =	sadd.s32 s6, s20  }
0x9e: {  	s9 =	simm.s32 $0x0;
	s21 =	sshll.u32 s7, $0x1;
	s7 =	sadd.s32 s22, s5  }
0x9f: {  	[timem:s9], [sflag:s23] =	dma.local [hbm:s7], s21  }
0xa0: {  	_ =	swait.ge [sflag:s23], s21  }
0xa1: {  	s6 =	ssub.s32 $0x0, s21;
	[sflag:s23] =	ssyncset.done $0x0  }
0xa2: {  	[sflag:s23] =	ssyncadd.s32 s6;
	_ =	sdelay $0x1  }
0xa3: {  	s24 =	simm.s32 $0x1B8B  }
0xa4: {  	_ =	swait.ge [sflag:s24], $0x1  }
0xa5: {  	[sflag:s24] =	ssyncset.done $0x0  }
0xa6: {  	s25 =	simm.s32 $0x1B8E;
	[sflag:s24] =	ssyncadd.s32 $0xFFFFFFFF  }
0xa7: {  	s26 =	simm.s32 $execute0_lowered;
	[smem:$0x3FD2] =	sst s25  }
0xa8: {  	s6 =	sshll.u32 s26, $0x1;
	_ =	strace $0x80000046;
	[dreg:$0x1] =	wrdreg $0xFFFFFFFF  }
0xa9: {  	s28 =	simm.s32 $_size_execute0_lowered;
	s5 =	sadd.s32 s5, s6;
	[dreg:$0x0] =	wrdreg $0x0  }
0xaa: {  	s6 =	sshll.u32 s28, $0x1;
	[dreg:$0x2] =	wrdreg s5  }
0xab: {  	[dreg:$0x3] =	wrdreg s6  }
0xac: {  	[dreg:$0x4] =	wrdreg $0xC0  }
0xad: {  	_ =	task [dreg:s9], $0x5FFFF  }
0xae: {  	[dreg:$0x1] =	wrdreg $0xFFFFFFFF  }
0xaf: {  	[dreg:$0x0] =	wrdreg $0x60  }
0xb0: {  	[dreg:$0x2] =	wrdreg s2  }
0xb1: {  	[dreg:$0x3] =	wrdreg s19  }
0xb2: {  	[dreg:$0x4] =	wrdreg s4  }
0xb3: {  	[dreg:$0x5] =	wrdreg $0x9  }
0xb4: {  	_ =	task.clear_ibuf [dreg:s9], $0x6FFFF;
	_ =	strace $0x90000046  }
0xb5: {  	s29 =	simm.s32 $0x9;
	_ =	strace $0x80000048  }
0xb6: {  	_ =	swait.ge [sflag:s29], $0x1  }
0xb7: {  	[sflag:s29] =	ssyncadd.s32 $0xFFFFFFFF  }
0xb8: {  	_ =	strace $0x90000048  }
0xb9: {  	_ =	sfence  }
0xba: {  	s30 =	sld [smem:$0x0];
	_ =	sdelay $0x2  }
0xbb: {  	s31 =	sshll.u32 s1, $0xD;
	s1 =	sshrl.u32 s1, $0x2  }
0xbc: {  	s3 =	sand.u32 $0x4000, s31;
	s1 =	sadd.s32 s1, s30  }
0xbd: {  	s0 =	sor.u32 s3, s0;
	s1 =	sshll.u32 s1, $0x11  }
0xbe: {  	s0 =	sor.u32 s1, s0  }
0xbf: {  	s0 =	sadd.s32 $0x8F2B, s0  }
0xc0: {  	[sflag:s0] =	ssyncadd.remote.s32 $0x1  }
0xc1: {  	_ =	sfence.sel $0xFFFF  }
0xc2: {  	[dreg:$0x0] =	wrdreg $0xFFFFFFFF;
	(pc) =	sbr.abs _section_cstart, $3  }
0xc3: {  	[dreg:$0x1] =	wrdreg $0xFFFFFFFF  }
0xc4: {  	_ =	task.clear_ibuf [dreg:s9], $0x2FFFF;
	_ =	strace $0x9FFFFFFF  }
0xc5: {  	(tm) =	ssettm $0x7FFFFFFF  }
tec
execute0_lowered:
.L_overlay_start_1:
0x0: {  	(tag) =	ssettag $0x1  }
0x1: {  	s4 =	rddreg [dreg:$0x0]  }
0x2: {  	s2 =	rddreg [dreg:$0x1]  }
0x3: {  	s5 =	rddreg [dreg:$0x2]  }
0x4: {  	s0 =	rddreg [dreg:$0x3]  }
0x5: {  	s6 =	srdreg.scid;
	s1 =	stileid.u32  }
0x6: {  	s3 =	simm.s32 $0x0;
	v0 =	vlaneseq.u32;
	s10 =	simm.s32 $0x0;
	s6 =	sand.u32 $0x1, s6  }
0x7: {  	s7 =	sshll.u32 s1, $0x1;
	[smem:$0x7FF] =	sst s3;
	v0 =	vmul.u32 $0x2, v0;
	s8 =	ssub.s32 $0x2, s6  }
0x8: {  	s6 =	sor.u32 s6, s7;
	_ =	strace $0x80000047;
	s31 =	sshrl.u32 s8, $0x1  }
0x9: {  	s9 =	sshll.u32 s6, $0xC;
	s6 =	sshll.u32 s6, $0xB;
	v1 =	vor.u32 $0x1, v0;
	s7 =	ssub.s32 s8, s31  }
0xa: {  	v2 =	vor.u32 $0x20, v0;
	v3 =	vor.u32 $0x21, v0;
	v4 =	vor.u32 $0x40, v0;
	s4 =	sadd.s32 s4, s9;
	s5 =	sadd.s32 s5, s6;
	s8 =	simm.s32 $0x8000  }
0xb: {  	v5 =	vor.u32 $0x41, v0;
	v6 =	vor.u32 $0x60, v0;
	v7 =	vor.u32 $0x61, v0;
	s9 =	simm.s32 $0x9000;
	s6 =	smax.u32 s7, $0x1;
	s7 =	simm.s32 $0x1  }
.LBB2_1:
0xc: {  	[tilespmem:s3], [sflag:$0x1] =	stream.linear.gather [hbm4b:s4+s3], $0x8000, $0x38;
	[tilespmem:$0xD000] =	vst v63  }
0xd: {  	_ =	swait.ge [sflag:s7], $0x8000  }
0xe: {  	s11 =	simm.s32 $0x0;
	[sflag:s7] =	ssyncset.done $0x0  }
0xf: {  	s12 =	simm.s32 $0x80;
	v8 =	vor.u32 s11, v0;
	[sflag:s7] =	ssyncadd.s32 $0xFFFF8000  }
0x10: {  	v9 =	vor.u32 s12, v6;
	[tilespmem:s8], [sflag:$0x1] =	stream.linear.gather [hbm4b:s2+s3], $0x1000, $0x38;
	[tilespmem:$0xD000] =	vst v63  }
0x11: {  	v10 =	vor.u32 s12, v7;
	_ =	swait.ge [sflag:s7], $0x1000  }
0x12: {  	v11 =	vor.u32 s12, v0;
	[sflag:s7] =	ssyncset.done $0x0  }
0x13: {  	v12 =	vor.u32 s12, v1;
	[sflag:s7] =	ssyncadd.s32 $0xFFFFF000  }
0x14: {  	v13 =	vor.u32 s12, v2;
	v15 =	vld.idx.msk [tilespmem:v8+s3+$0x0], $0xffff  }
0x15: {  	v14 =	vor.u32 s12, v4;
	v9 =	vld.idx.msk [tilespmem:v9+s3+$0x0], $0xffff  }
0x16: {  	v16 =	vor.u32 s12, v5;
	v10 =	vld.idx.msk [tilespmem:v10+s3+$0x0], $0xffff  }
0x17: {  	v17 =	vor.u32 s11, v1;
	v11 =	vld.idx.msk [tilespmem:v11+s3+$0x0], $0xffff  }
0x18: {  	v8 =	vor.u32 s12, v3;
	v12 =	vld.idx.msk [tilespmem:v12+s3+$0x0], $0xffff  }
0x19: {  	v13 =	vld.idx.msk [tilespmem:v13+s3+$0x0], $0xffff  }
0x1a: {  	v18 =	vor.u32 s11, v2;
	v14 =	vld.idx.msk [tilespmem:v14+s3+$0x0], $0xffff  }
0x1b: {  	v19 =	vor.u32 s11, v3;
	v23 =	vld.idx.msk [tilespmem:v16+s3+$0x0], $0xffff  }
0x1c: {  	v21 =	vor.u32 s11, v4;
	v25 =	vld.idx.msk [tilespmem:v17+s3+$0x0], $0xffff  }
0x1d: {  	v22 =	vor.u32 s11, v5;
	s12 =	sand.u32 $0xF80, s3;
	v8 =	vld.idx.msk [tilespmem:v8+s3+$0x0], $0xffff  }
0x1e: {  	v26 =	vor.u32 s11, v7;
	v20 =	vld [tilespmem:s12+$0x8070]  }
0x1f: {  	v24 =	vor.u32 s11, v6;
	v16 =	vld.idx.msk [tilespmem:v18+s3+$0x0], $0xffff;
	v9 =	vsub.f32 v9, v10  }
0x20: {  	v17 =	vld.idx.msk [tilespmem:v19+s3+$0x0], $0xffff  }
0x21: {  	v10 =	vld.idx.msk [tilespmem:v21+s3+$0x0], $0xffff;
	v9 =	vmul.f32 $7.999999800e-04, v9  }
0x22: {  	v11 =	vsub.f32 v11, v12;
	v12 =	vld.idx.msk [tilespmem:v22+s3+$0x0], $0xffff;
	v18 =	vsub.f32 v13, v8  }
0x23: {  	v19 =	vsub.f32 v9, v20;
	v20 =	vsub.f32 v14, v23;
	v14 =	vld.idx.msk [tilespmem:v26+s3+$0x0], $0xffff  }
0x24: {  	s11 =	simm.s32 $0x9040;
	v13 =	vld.idx.msk [tilespmem:v24+s3+$0x0], $0xffff;
	v9 =	vmul.f32 $7.999999800e-04, v18;
	v18 =	vsub.f32 v15, v25  }
0x25: {  	s13 =	simm.s32 $0x0;
	s14 =	simm.s32 $0x2;
	s15 =	simm.s32 $0x0;
	v8 =	vmul.f32 $7.999999800e-04, v11;
	[tilespmem:s11+$0x30] =	vst v19;
	v11 =	vmul.f32 $7.999999800e-04, v20;
	v15 =	vld [tilespmem:s12+$0x8000]  }
.LBB2_2:
0x26: {  	s16 =	sshll.u32 s14, $0x7;
	v18 =	vmul.f32 $7.999999800e-04, v18;
	v19 =	vld [tilespmem:s12+$0x8010];
	v16 =	vsub.f32 v16, v17  }
0x27: {  	s13 =	sadd.s32 $0x8, s13;
	v17 =	vor.u32 s16, v0;
	v20 =	vor.u32 s16, v1;
	v21 =	vor.u32 s16, v2;
	s17 =	sadd.s32 $0x80, s16;
	v22 =	vld [tilespmem:s12+$0x8020]  }
0x28: {  	p0 =	slt.u32 s13, $0x3F8;
	v23 =	vor.u32 s17, v0;
	v24 =	vor.u32 s17, v1;
	v25 =	vor.u32 s17, v6;
	v26 =	vld [tilespmem:s12+$0x8030]  }
0x29: {  	v27 =	vor.u32 s17, v2;
	v28 =	vor.u32 s17, v3;
	v29 =	vor.u32 s17, v7;
	v30 =	vld [tilespmem:s12+$0x8040]  }
0x2a: {  	v31 =	vor.u32 s16, v3;
	v32 =	vor.u32 s17, v4;
	v33 =	vor.u32 s17, v5;
	v34 =	vld [tilespmem:s12+$0x8050]  }
0x2b: {  	v35 =	vor.u32 s16, v4;
	v36 =	vor.u32 s16, v5;
	v37 =	vor.u32 s16, v6;
	v38 =	vld [tilespmem:s12+$0x8060]  }
0x2c: {  	v40 =	vor.u32 s16, v7;
	v10 =	vsub.f32 v10, v12;
	v12 =	vsub.f32 v13, v14;
	v39 =	vld.idx.msk [tilespmem:v17+s3+$0x0], $0xffff  }
0x2d: {  	v14 =	vsub.f32 v18, v15;
	v15 =	vmul.f32 $7.999999800e-04, v16;
	v13 =	vld.idx.msk [tilespmem:v25+s3+$0x0], $0xffff  }
0x2e: {  	v10 =	vmul.f32 $7.999999800e-04, v10;
	v12 =	vmul.f32 $7.999999800e-04, v12;
	v16 =	vld.idx.msk [tilespmem:v29+s3+$0x0], $0xffff;
	v8 =	vsub.f32 v8, v30  }
0x2f: {  	v17 =	vld.idx.msk [tilespmem:v23+s3+$0x0], $0xffff;
	[tilespmem:s11+$0xFFFFFFC0] =	vst v14;
	v14 =	vsub.f32 v15, v19;
	v9 =	vsub.f32 v9, v34  }
0x30: {  	v10 =	vsub.f32 v10, v22;
	v15 =	vld.idx.msk [tilespmem:v24+s3+$0x0], $0xffff;
	[tilespmem:s11+$0x0] =	vst v8;
	v8 =	vsub.f32 v11, v38  }
0x31: {  	s15 =	sadd.s32 $0x80, s15;
	v12 =	vsub.f32 v12, v26;
	v11 =	vld.idx.msk [tilespmem:v27+s3+$0x0], $0xffff;
	[tilespmem:s11+$0x10] =	vst v9  }
0x32: {  	s12 =	sand.u32 $0xF80, s15;
	v9 =	vld.idx.msk [tilespmem:v28+s3+$0x0], $0xffff;
	[tilespmem:s11+$0x20] =	vst v8  }
0x33: {  	v18 =	vld [tilespmem:s12+$0x8070];
	[tilespmem:s11+$0xFFFFFFD0] =	vst v14  }
0x34: {  	v8 =	vsub.f32 v13, v16;
	v14 =	vld.idx.msk [tilespmem:v32+s3+$0x0], $0xffff;
	[tilespmem:s11+$0xFFFFFFE0] =	vst v10  }
0x35: {  	v19 =	vld.idx.msk [tilespmem:v33+s3+$0x0], $0xffff;
	[tilespmem:s11+$0xFFFFFFF0] =	vst v12  }
0x36: {  	v10 =	vsub.f32 v17, v15;
	v12 =	vmul.f32 $7.999999800e-04, v8;
	v20 =	vld.idx.msk [tilespmem:v20+s3+$0x0], $0xffff  }
0x37: {  	v16 =	vld.idx.msk [tilespmem:v21+s3+$0x0], $0xffff  }
0x38: {  	v8 =	vmul.f32 $7.999999800e-04, v10;
	v9 =	vsub.f32 v11, v9;
	v17 =	vld.idx.msk [tilespmem:v31+s3+$0x0], $0xffff;
	v11 =	vsub.f32 v12, v18  }
.Ltmp0:
0x39: {  	s11 =	sadd.s32 $0x80, s11;
	v10 =	vld.idx.msk [tilespmem:v35+s3+$0x0], $0xffff;
	(pc) =	sbr.rel @p0 .LBB2_2-.Ltmp0, $4  }
0x3a: {  	v9 =	vmul.f32 $7.999999800e-04, v9;
	v12 =	vld.idx.msk [tilespmem:v36+s3+$0x0], $0xffff;
	[tilespmem:s11+$0x30] =	vst v11  }
0x3b: {  	v11 =	vsub.f32 v14, v19;
	v13 =	vld.idx.msk [tilespmem:v37+s3+$0x0], $0xffff  }
0x3c: {  	v18 =	vsub.f32 v39, v20;
	v14 =	vld.idx.msk [tilespmem:v40+s3+$0x0], $0xffff  }
0x3d: {  	s14 =	sadd.s32 $0x2, s14;
	v11 =	vmul.f32 $7.999999800e-04, v11;
	v15 =	vld [tilespmem:s12+$0x8000]  }
0x3e: {  	v19 =	vld [tilespmem:s12+$0x8040]  }
0x3f: {  	v20 =	vld [tilespmem:s12+$0x8050]  }
0x40: {  	v18 =	vmul.f32 $7.999999800e-04, v18;
	v22 =	vld [tilespmem:s12+$0x8010]  }
0x41: {  	v21 =	vld [tilespmem:s12+$0x8060];
	v16 =	vsub.f32 v16, v17  }
0x42: {  	v57 =	vld [tilespmem:s12+$0x8020];
	v15 =	vsub.f32 v18, v15  }
0x43: {  	v58 =	vld [tilespmem:s12+$0x8030];
	v10 =	vsub.f32 v10, v12;
	v60 =	vmul.f32 $7.999999800e-04, v16;
	v8 =	vsub.f32 v8, v19  }
0x44: {  	v59 =	vsub.f32 v13, v14;
	v9 =	vsub.f32 v9, v20;
	[tilespmem:s11+$0xFFFFFFC0] =	vst v15  }
0x45: {  	v10 =	vmul.f32 $7.999999800e-04, v10;
	v62 =	vsub.f32 v60, v22;
	[tilespmem:s11+$0x0] =	vst v8  }
0x46: {  	v61 =	vmul.f32 $7.999999800e-04, v59;
	v8 =	vsub.f32 v11, v21;
	[tilespmem:s11+$0x10] =	vst v9  }
0x47: {  	v63 =	vsub.f32 v10, v57;
	[tilespmem:s11+$0xFFFFFFD0] =	vst v62  }
0x48: {  	s10 =	sadd.s32 $0x1, s10;
	[tilespmem:s11+$0x20] =	vst v8;
	v8 =	vsub.f32 v61, v58  }
0x49: {  	p0 =	sne.s32 s10, s6;
	[tilespmem:s11+$0xFFFFFFE0] =	vst v63  }
.Ltmp1:
0x4a: {  	[tilespmem:s11+$0xFFFFFFF0] =	vst v8;
	(pc) =	sbr.rel @p0 .LBB2_1-.Ltmp1, $4  }
0x4b: {  	[hbm4b:s5+s3] =	stream.linear.scatter [tilespmem:s9], [sflag:$0x1], $0x4000, $0x38;
	[tilespmem:$0xD000] =	vst v63  }
0x4c: {  	_ =	swait.ge [sflag:s7], $0x4000  }
0x4d: {  	[sflag:s7] =	ssyncset.done $0x0  }
0x4e: {  	[sflag:s7] =	ssyncadd.s32 $0xFFFFC000  }
0x4f: {  	_ =	sfence.sel $0x180000  }
0x50: {  	[bflag:$0x0] =	sbarrier.arrive $0xFFFF  }
0x51: {  	p0 =	sne.s32 s1, $0x0;
	_ =	strace $0x90000047  }
0x52: {  	s0 =	sadd.s32 @!p0 $0x100000, s0;
	[bflag:$0x2] =	sbarrier.arrive $0xFFFF  }
0x53: {  	[sflag:s0] =	ssyncadd.tile.s32 @!p0 $0x1;
	_ =	shalt  }
.Lfunc_end2:
_tile_overlayer_lowered:
.L_overlay_start_2:
0x54: {  	(tag) =	ssettag $0x2  }
0x55: {  	s0 =	rddreg [dreg:$0x0];
	s2 =	stileid.u32  }
0x56: {  	s1 =	rddreg [dreg:$0x1];
	p0 =	sne.s32 s2, $0x0  }
0x57: {  	s3 =	rddreg [dreg:$0x2];
	[bflag:$0x3] =	sbarrier.arrive $0xFFFF;
	s2 =	simm.s32 @!p0 $0x1C01  }
0x58: {  	[timem:s3], [sflag:s2] =	dma.local @!p0 [hbm:s0], s1  }
0x59: {  	s0 =	simm.s32 @!p0 $0x1  }
0x5a: {  	_ =	swait.ge @!p0 [sflag:s0], s1  }
0x5b: {  	s1 =	ssub.s32 @!p0 $0x0, s1;
	[sflag:s0] =	ssyncset.done @!p0 $0x0  }
0x5c: {  	[sflag:s0] =	ssyncadd.s32 @!p0 s1  }
0x5d: {  	[bflag:$0x3] =	sbarrier.arrive $0xFFFF  }
0x5e: {  	_ =	shalt  }

</sc_bundles>
